<compile_context>
chip_gen: v7x
topology: tpu7x:2x2x1
jax: 0.10.2.dev20260603
libtpu: 0.0.44.dev20260713+nightly
codegen_flags: <defaults>
</compile_context>

<pallas_src>
import functools

import jax
import jax.numpy as jnp
import numpy as np
from jax import lax
from jax.experimental import pallas as pl
from jax.experimental.pallas import tpu as pltpu
from jax.experimental.pallas import tpu_sc as plsc

N = 10000
E = 320000
H = 128
F = 128
NG = 50
NI = 6
G = 128
CUT = 10.0
ZMAX = 100

NC = 2
NS = 16
NW = NC * NS
CHUNK = 64
NCHUNK = 160
IBLK = 32
EPW = NCHUNK * CHUNK
EP = NW * EPW
NP = 10240
NB = 512
ROWS_PER_SUB = NP // NS

_LOG2 = float(np.log(2.0))
_STEP = CUT / (NG - 1)
_COEFF = -0.5 / _STEP ** 2


def _ssp(x):
    return jnp.where(x > 30.0, x - _LOG2,
                     _LOG2 * jnp.log2(0.5 + 0.5 * jnp.exp(x)))


def _sc_dist_body(pos_hbm, row_hbm, col_hbm, d2_hbm, pos_t, rowb, colb, d2b):
    wid = lax.axis_index("s") * NC + lax.axis_index("c")
    base = wid * EPW
    pltpu.sync_copy(pos_hbm, pos_t)
    pltpu.sync_copy(row_hbm.at[pl.ds(base, EPW)], rowb)
    pltpu.sync_copy(col_hbm.at[pl.ds(base, EPW)], colb)

    def body(g, carry):
        sl = pl.ds(g * 16, 16)
        r3 = rowb[sl] * 3
        c3 = colb[sl] * 3
        dx = plsc.load_gather(pos_t, [r3]) - plsc.load_gather(pos_t, [c3])
        dy = plsc.load_gather(pos_t, [r3 + 1]) - plsc.load_gather(pos_t, [c3 + 1])
        dz = plsc.load_gather(pos_t, [r3 + 2]) - plsc.load_gather(pos_t, [c3 + 2])
        d2b[sl] = dx * dx + dy * dy + dz * dz
        return carry

    lax.fori_loop(0, EPW // 16, body, 0, unroll=2)
    pltpu.sync_copy(d2b, d2_hbm.at[pl.ds(base, EPW)])


@jax.jit
def _sc_dist(pos_flat, row_p, col_p):
    mesh = plsc.VectorSubcoreMesh(core_axis_name="c", subcore_axis_name="s",
                                  num_cores=NC, num_subcores=NS)
    return pl.kernel(
        _sc_dist_body,
        out_type=jax.ShapeDtypeStruct((EP,), jnp.float32),
        mesh=mesh,
        compiler_params=pltpu.CompilerParams(needs_layout_passes=False),
        scratch_types=[
            pltpu.VMEM((N * 3,), jnp.float32),
            pltpu.VMEM((EPW,), jnp.int32),
            pltpu.VMEM((EPW,), jnp.int32),
            pltpu.VMEM((EPW,), jnp.float32),
        ],
    )(pos_flat, row_p, col_p)


def _sc_gs_body(x1_hbm, wc_hbm, row_hbm, col_hbm, agg_hbm,
                colb, rowb, rb2, xjb, wcb, shared, gsem, wsem, ssem):
    c = lax.axis_index("c")
    s = lax.axis_index("s")
    wid = s * NC + c
    ebase = wid * EPW
    r0 = s * ROWS_PER_SUB

    def stage_iblk(k):
        off = k * IBLK * CHUNK
        pltpu.sync_copy(col_hbm.at[wid, pl.ds(off, IBLK * CHUNK)],
                        colb.at[k % 2])
        pltpu.sync_copy(row_hbm.at[wid, pl.ds(off, IBLK * CHUNK)], rowb)

    def build_rb2(slot, loff):
        def ib(g, carry2):
            rb2[slot, pl.ds(g * 16, 16)] = rowb[pl.ds(loff + g * 16, 16)]
            return carry2
        lax.fori_loop(0, CHUNK // 16, ib, 0)

    def issue_gw(ch, cslot, loff, slot3, slot2):
        g = pltpu.async_copy(
            x1_hbm.at[colb.at[cslot, pl.ds(loff, CHUNK)]], xjb.at[slot3],
            gsem.at[slot3])
        w = pltpu.async_copy(
            wc_hbm.at[pl.ds(ebase + ch * CHUNK, CHUNK)], wcb.at[slot2],
            wsem.at[slot2])
        return g, w

    def wait_g(slot3):
        pltpu.make_async_copy(x1_hbm.at[pl.ds(0, CHUNK)], xjb.at[slot3],
                              gsem.at[slot3]).wait()

    def wait_w(slot2):
        pltpu.make_async_copy(wc_hbm.at[pl.ds(0, CHUNK)], wcb.at[slot2],
                              wsem.at[slot2]).wait()

    def wait_s(slot3):
        pltpu.make_async_copy(wc_hbm.at[pl.ds(0, CHUNK)], xjb.at[slot3],
                              ssem.at[slot3]).wait()

    def zbody(e, carry):
        for j in range(8):
            xjb[0, e, pl.ds(j * 16, 16)] = jnp.zeros((16,), jnp.float32)
        return carry
    lax.fori_loop(0, CHUNK, zbody, 0, unroll=2)
    for k in range(ROWS_PER_SUB // CHUNK):
        pltpu.sync_copy(xjb.at[0], shared.at[pl.ds(r0 + k * CHUNK, CHUNK)])
    plsc.subcore_barrier()

    stage_iblk(0)
    for ch in range(2):
        build_rb2(ch, ch * CHUNK)
        issue_gw(ch, 0, ch * CHUNK, ch, ch)

    def body(ch, carry):
        b3 = lax.rem(ch, 3)
        b2 = lax.rem(ch, 2)
        wait_g(b3)
        wait_w(b2)

        def mul(e, carry2):
            for j in range(8):
                sl = pl.ds(j * 16, 16)
                xjb[b3, e, sl] = xjb[b3, e, sl] * wcb[b2, e, sl]
            return carry2
        lax.fori_loop(0, CHUNK, mul, 0, unroll=4)

        pltpu.async_copy(xjb.at[b3], shared.at[rb2.at[b3]], ssem.at[b3],
                         add=True)

        for k in range(1, NCHUNK // IBLK):
            @pl.when(ch == k * IBLK - 2)
            def _():
                stage_iblk(k)

        nxt = ch + 2

        @pl.when(nxt < NCHUNK)
        def _():
            nb3 = lax.rem(nxt, 3)
            nb2 = lax.rem(nxt, 2)

            @pl.when(ch >= 1)
            def _():
                wait_s(nb3)
            loff = lax.rem(nxt, IBLK) * CHUNK
            cslot = jnp.where(lax.rem(nxt, 2 * IBLK) >= IBLK, 1, 0)
            build_rb2(nb3, loff)
            issue_gw(nxt, cslot, loff, nb3, nb2)
        return carry

    lax.fori_loop(0, NCHUNK, body, 0)
    for ch in range(NCHUNK - 3, NCHUNK):
        wait_s(ch % 3)
    plsc.subcore_barrier()
    pltpu.sync_copy(shared.at[pl.ds(r0, ROWS_PER_SUB)],
                    agg_hbm.at[c, pl.ds(r0, ROWS_PER_SUB)])


@jax.jit
def _sc_gather_scatter(x1, wc, row2d, col2d):
    mesh = plsc.VectorSubcoreMesh(core_axis_name="c", subcore_axis_name="s",
                                  num_cores=NC, num_subcores=NS)
    return pl.kernel(
        _sc_gs_body,
        out_type=jax.ShapeDtypeStruct((NC, NP, F), jnp.float32),
        mesh=mesh,
        compiler_params=pltpu.CompilerParams(needs_layout_passes=False),
        scratch_types=[
            pltpu.VMEM((2, IBLK * CHUNK), jnp.int32),
            pltpu.VMEM((IBLK * CHUNK,), jnp.int32),
            pltpu.VMEM((3, CHUNK), jnp.int32),
            pltpu.VMEM((3, CHUNK, F), jnp.float32),
            pltpu.VMEM((2, CHUNK, F), jnp.float32),
            pltpu.VMEM_SHARED((NP, F), jnp.float32),
            pltpu.SemaphoreType.DMA((3,)),
            pltpu.SemaphoreType.DMA((2,)),
            pltpu.SemaphoreType.DMA((3,)),
        ],
    )(x1, wc, row2d, col2d)


def _tc_edgeprep_kernel(d2_ref, d_ref, c_ref):
    i = pl.program_id(0)
    d = jnp.sqrt(d2_ref[...] + 1e-12)
    C = 0.5 * (jnp.cos(d * (np.pi / CUT)) + 1.0)
    C = jnp.where(d < CUT, C, 0.0)
    eidx = (i * 8192
            + lax.broadcasted_iota(jnp.int32, (64, 128), 0) * 128
            + lax.broadcasted_iota(jnp.int32, (64, 128), 1))
    C = jnp.where(eidx < E, C, 0.0)
    d_ref[...] = d
    c_ref[...] = C


@jax.jit
def _tc_edgeprep(d2r):
    return pl.pallas_call(
        _tc_edgeprep_kernel,
        grid=(EP // 8192,),
        in_specs=[pl.BlockSpec((64, 128), lambda i: (i, 0))],
        out_specs=[pl.BlockSpec((64, 128), lambda i: (i, 0)),
                   pl.BlockSpec((64, 128), lambda i: (i, 0))],
        out_shape=[jax.ShapeDtypeStruct((EP // 128, 128), jnp.float32),
                   jax.ShapeDtypeStruct((EP // 128, 128), jnp.float32)],
    )(d2r)


def _tc_filter_kernel(d_ref, c_ref, w1_ref, b1_ref, w2_ref, b2_ref, wc_ref):
    d = d_ref[...]
    j = lax.broadcasted_iota(jnp.int32, (NB, 64), 1).astype(jnp.float32)
    rbf = jnp.exp(_COEFF * (d - j * _STEP) ** 2)
    t = _ssp(jnp.dot(rbf, w1_ref[...], preferred_element_type=jnp.float32)
             + b1_ref[...])
    W = jnp.dot(t, w2_ref[...], preferred_element_type=jnp.float32) + b2_ref[...]
    wc_ref[...] = W * c_ref[...]


@jax.jit
def _tc_filter(d_c, c_c, w1p, b1, w2, b2):
    return pl.pallas_call(
        _tc_filter_kernel,
        grid=(EP // NB,),
        in_specs=[
            pl.BlockSpec((NB, 1), lambda i: (i, 0)),
            pl.BlockSpec((NB, 1), lambda i: (i, 0)),
            pl.BlockSpec((64, F), lambda i: (0, 0)),
            pl.BlockSpec((1, F), lambda i: (0, 0)),
            pl.BlockSpec((F, F), lambda i: (0, 0)),
            pl.BlockSpec((1, F), lambda i: (0, 0)),
        ],
        out_specs=pl.BlockSpec((NB, F), lambda i: (i, 0)),
        out_shape=jax.ShapeDtypeStruct((EP, F), jnp.float32),
    )(d_c, c_c, w1p, b1, w2, b2)


def _tc_prologue_kernel(az_ref, emb_ref, l1_ref, h_ref, x1_ref):
    az = az_ref[...]
    j = lax.broadcasted_iota(jnp.int32, (NB, 128), 1).astype(jnp.float32)
    oh = (az == j).astype(jnp.float32)
    h = jnp.dot(oh, emb_ref[...], preferred_element_type=jnp.float32)
    h_ref[...] = h
    x1_ref[...] = jnp.dot(h, l1_ref[...], preferred_element_type=jnp.float32)


@jax.jit
def _tc_prologue(azf, embp, l1):
    return pl.pallas_call(
        _tc_prologue_kernel,
        grid=(NP // NB,),
        in_specs=[
            pl.BlockSpec((NB, 1), lambda i: (i, 0)),
            pl.BlockSpec((128, H), lambda i: (0, 0)),
            pl.BlockSpec((H, F), lambda i: (0, 0)),
        ],
        out_specs=[pl.BlockSpec((NB, H), lambda i: (i, 0)),
                   pl.BlockSpec((NB, F), lambda i: (i, 0))],
        out_shape=[jax.ShapeDtypeStruct((NP, H), jnp.float32),
                   jax.ShapeDtypeStruct((NP, F), jnp.float32)],
    )(azf, embp, l1)


def _tc_node_kernel(a_ref, h_ref, w2_ref, b2_ref, w3_ref, b3_ref, l1_ref,
                    hn_ref, x1_ref):
    i = pl.program_id(0)
    agg = a_ref[0] + a_ref[1]
    x = _ssp(jnp.dot(agg, w2_ref[...], preferred_element_type=jnp.float32)
             + b2_ref[...])
    x = jnp.dot(x, w3_ref[...], preferred_element_type=jnp.float32) + b3_ref[...]
    ridx = i * NB + lax.broadcasted_iota(jnp.int32, (NB, 1), 0)
    x = jnp.where(ridx < N, x, 0.0)
    hn = h_ref[...] + x
    hn_ref[...] = hn
    x1_ref[...] = jnp.dot(hn, l1_ref[...], preferred_element_type=jnp.float32)


@jax.jit
def _tc_node_update(aggp, h, w2, b2, w3, b3, l1n):
    return pl.pallas_call(
        _tc_node_kernel,
        grid=(NP // NB,),
        in_specs=[
            pl.BlockSpec((2, NB, F), lambda i: (0, i, 0)),
            pl.BlockSpec((NB, H), lambda i: (i, 0)),
            pl.BlockSpec((F, H), lambda i: (0, 0)),
            pl.BlockSpec((1, H), lambda i: (0, 0)),
            pl.BlockSpec((H, H), lambda i: (0, 0)),
            pl.BlockSpec((1, H), lambda i: (0, 0)),
            pl.BlockSpec((H, F), lambda i: (0, 0)),
        ],
        out_specs=[pl.BlockSpec((NB, H), lambda i: (i, 0)),
                   pl.BlockSpec((NB, F), lambda i: (i, 0))],
        out_shape=[jax.ShapeDtypeStruct((NP, H), jnp.float32),
                   jax.ShapeDtypeStruct((NP, F), jnp.float32)],
    )(aggp, h, w2, b2, w3, b3, l1n)


def _tc_film_kernel(did_ref, de_ref, w1_ref, b1_ref, w2_ref, b2_ref,
                    gw_ref, gb_ref, bw_ref, bb_ref, gam_ref, bet_ref):
    did = did_ref[...]
    j = lax.broadcasted_iota(jnp.int32, (G, 8), 1).astype(jnp.float32)
    oh = (did == j).astype(jnp.float32)
    de = jnp.dot(oh, de_ref[...], preferred_element_type=jnp.float32)
    fc = jax.nn.relu(jnp.dot(de, w1_ref[...], preferred_element_type=jnp.float32)
                     + b1_ref[...])
    fc = jnp.dot(fc, w2_ref[...], preferred_element_type=jnp.float32) + b2_ref[...]
    gam_ref[...] = jnp.dot(fc, gw_ref[...],
                           preferred_element_type=jnp.float32) + gb_ref[...]
    bet_ref[...] = jnp.dot(fc, bw_ref[...],
                           preferred_element_type=jnp.float32) + bb_ref[...]


@jax.jit
def _tc_film(didf, dep, fp1_w, fp1_b, fp2_w, fp2_b, gam_w, gam_b, bet_w, bet_b):
    full = lambda *s: pl.BlockSpec(s, lambda: tuple(0 for _ in s))
    return pl.pallas_call(
        _tc_film_kernel,
        in_specs=[full(G, 1), full(8, 64), full(64, 128), full(1, 128),
                  full(128, 128), full(1, 128), full(128, H), full(1, H),
                  full(128, H), full(1, H)],
        out_specs=[full(G, H), full(G, H)],
        out_shape=[jax.ShapeDtypeStruct((G, H), jnp.float32),
                   jax.ShapeDtypeStruct((G, H), jnp.float32)],
    )(didf, dep, fp1_w, fp1_b, fp2_w, fp2_b, gam_w, gam_b, bet_w, bet_b)


def _tc_final_kernel(h_ref, b_ref, gam_ref, bet_ref, w1_ref, b1_ref,
                     w2_ref, b2_ref, out_ref):
    i = pl.program_id(0)
    bf = b_ref[...]
    j = lax.broadcasted_iota(jnp.int32, (NB, G), 1).astype(jnp.float32)
    oh = (bf == j).astype(jnp.float32)
    gam_n = jnp.dot(oh, gam_ref[...], preferred_element_type=jnp.float32)
    bet_n = jnp.dot(oh, bet_ref[...], preferred_element_type=jnp.float32)
    hp = gam_n * h_ref[...] + bet_n
    t = _ssp(jnp.dot(hp, w1_ref[...], preferred_element_type=jnp.float32)
             + b1_ref[...])
    o = jnp.dot(t, w2_ref[...], preferred_element_type=jnp.float32) + b2_ref[...]
    part = lax.dot_general(oh, o, (((0,), (0,)), ((), ())),
                           preferred_element_type=jnp.float32)

    @pl.when(i == 0)
    def _():
        out_ref[...] = jnp.zeros_like(out_ref)

    out_ref[...] += part


@jax.jit
def _tc_final(h, batchf, gamma, beta, out1_w, out1_b, out2_wp, out2_bp):
    return pl.pallas_call(
        _tc_final_kernel,
        grid=(NP // NB,),
        in_specs=[
            pl.BlockSpec((NB, H), lambda i: (i, 0)),
            pl.BlockSpec((NB, 1), lambda i: (i, 0)),
            pl.BlockSpec((G, H), lambda i: (0, 0)),
            pl.BlockSpec((G, H), lambda i: (0, 0)),
            pl.BlockSpec((H, H // 2), lambda i: (0, 0)),
            pl.BlockSpec((1, H // 2), lambda i: (0, 0)),
            pl.BlockSpec((H // 2, 8), lambda i: (0, 0)),
            pl.BlockSpec((1, 8), lambda i: (0, 0)),
        ],
        out_specs=pl.BlockSpec((G, 8), lambda i: (0, 0)),
        out_shape=jax.ShapeDtypeStruct((G, 8), jnp.float32),
    )(h, batchf, gamma, beta, out1_w, out1_b, out2_wp, out2_bp)


def kernel(pos, atomic_numbers, batch, edge_index, domain_ids, emb, mlp_w1,
           mlp_b1, mlp_w2, mlp_b2, lin1_w, lin2_w, lin2_b, lin3_w, lin3_b,
           out1_w, out1_b, out2_w, out2_b, dom_emb, fp1_w, fp1_b, fp2_w,
           fp2_b, gam_w, gam_b, bet_w, bet_b):
    npad = EP - E
    pad_idx = (jnp.arange(npad, dtype=jnp.int32) * 7) % N
    row_p = jnp.concatenate([edge_index[0].astype(jnp.int32), pad_idx])
    col_p = jnp.concatenate([edge_index[1].astype(jnp.int32), pad_idx])
    row2d = row_p.reshape(NW, EPW)
    col2d = col_p.reshape(NW, EPW)
    pos_flat = pos.reshape(-1)

    azf = jnp.pad(atomic_numbers.astype(jnp.float32), (0, NP - N),
                  constant_values=float(ZMAX)).reshape(NP, 1)
    batchf = jnp.pad(batch.astype(jnp.float32), (0, NP - N),
                     constant_values=float(G)).reshape(NP, 1)
    didf = domain_ids.astype(jnp.float32).reshape(G, 1)

    w1p = jnp.pad(mlp_w1, ((0, 0), (0, 64 - NG), (0, 0)))
    embp = jnp.pad(emb, ((0, 128 - ZMAX), (0, 0)))
    dep = jnp.pad(dom_emb, ((0, 3), (0, 0)))
    out2_wp = jnp.pad(out2_w, ((0, 0), (0, 7)))
    out2_bp = jnp.pad(out2_b, (0, 7)).reshape(1, 8)
    r2 = lambda v: v.reshape(1, -1)

    d2 = _sc_dist(pos_flat, row_p, col_p)
    dd, cc = _tc_edgeprep(d2.reshape(EP // 128, 128))
    d_c = dd.reshape(EP, 1)
    c_c = cc.reshape(EP, 1)
    h, x1 = _tc_prologue(azf, embp, lin1_w[0])
    wcs = [_tc_filter(d_c, c_c, w1p[i], r2(mlp_b1[i]), mlp_w2[i],
                      r2(mlp_b2[i])) for i in range(NI)]
    for i in range(NI):
        aggp = _sc_gather_scatter(x1, wcs[i], row2d, col2d)
        h, x1 = _tc_node_update(aggp, h, lin2_w[i], r2(lin2_b[i]),
                                lin3_w[i], r2(lin3_b[i]),
                                lin1_w[(i + 1) % NI])
    gamma, beta = _tc_film(didf, dep, fp1_w, r2(fp1_b), fp2_w, r2(fp2_b),
                           gam_w, r2(gam_b), bet_w, r2(bet_b))
    eng = _tc_final(h, batchf, gamma, beta, out1_w, r2(out1_b),
                    out2_wp, out2_bp)
    return eng[:, :1]

# --- scband reference (transcript-rebuilt; emitter-appended) ---
"""Pipeline reference for scband-domain-aware-sch-net-27041114095755 (READ-ONLY COPY).

The authoritative reference and input builder live on the scoring server;
editing this copy changes nothing except your own understanding.
"""

import jax, jax.numpy as jnp
import numpy as np

N = 10000
E = 320000
H = 128
F = 128
NG = 50
NI = 6
G = 128
CUT = 10.0
DED = 64
FD = 128
ND = 5
ZMAX = 100


def ssp(x):
    # shifted softplus used by SchNet
    return jax.nn.softplus(x) - jnp.log(2.0)


def setup_inputs(seed: int = 0) -> dict:
    key = jax.random.key(seed)
    ks = jax.random.split(key, 24)
    inp = {}
    inp["pos"] = jax.random.normal(ks[0], (N, 3), dtype=jnp.float32) * 3.0
    inp["atomic_numbers"] = jax.random.randint(ks[1], (N,), 0, ZMAX)
    inp["batch"] = jnp.sort(jax.random.randint(ks[2], (N,), 0, G))
    inp["edge_index"] = jax.random.randint(ks[3], (2, E), 0, N)
    inp["domain_ids"] = jax.random.randint(ks[4], (G,), 0, ND)

    def gl(k, shape, fan_in):
        return jax.random.normal(k, shape, dtype=jnp.float32) * (1.0 / np.sqrt(fan_in))

    # SchNet backbone params
    inp["emb"] = gl(ks[5], (ZMAX, H), H)
    inp["mlp_w1"] = gl(ks[6], (NI, NG, F), NG)
    inp["mlp_b1"] = jnp.zeros((NI, F), jnp.float32)
    inp["mlp_w2"] = gl(ks[7], (NI, F, F), F)
    inp["mlp_b2"] = jnp.zeros((NI, F), jnp.float32)
    inp["lin1_w"] = gl(ks[8], (NI, H, F), H)
    inp["lin2_w"] = gl(ks[9], (NI, F, H), F)
    inp["lin2_b"] = jnp.zeros((NI, H), jnp.float32)
    inp["lin3_w"] = gl(ks[10], (NI, H, H), H)
    inp["lin3_b"] = jnp.zeros((NI, H), jnp.float32)
    inp["out1_w"] = gl(ks[11], (H, H // 2), H)
    inp["out1_b"] = jnp.zeros((H // 2,), jnp.float32)
    inp["out2_w"] = gl(ks[12], (H // 2, 1), H // 2)
    inp["out2_b"] = jnp.zeros((1,), jnp.float32)
    # Domain adapter params
    inp["dom_emb"] = gl(ks[13], (ND, DED), DED)
    inp["fp1_w"] = gl(ks[14], (DED, FD), DED)
    inp["fp1_b"] = jnp.zeros((FD,), jnp.float32)
    inp["fp2_w"] = gl(ks[15], (FD, FD), FD)
    inp["fp2_b"] = jnp.zeros((FD,), jnp.float32)
    inp["gam_w"] = gl(ks[16], (FD, H), FD)
    inp["gam_b"] = jnp.ones((H,), jnp.float32)
    inp["bet_w"] = gl(ks[17], (FD, H), FD)
    inp["bet_b"] = jnp.zeros((H,), jnp.float32)
    return inp


def reference(pos, atomic_numbers, batch, edge_index, domain_ids,
              emb, mlp_w1, mlp_b1, mlp_w2, mlp_b2, lin1_w, lin2_w, lin2_b,
              lin3_w, lin3_b, out1_w, out1_b, out2_w, out2_b,
              dom_emb, fp1_w, fp1_b, fp2_w, fp2_b, gam_w, gam_b, bet_w, bet_b):
    row = edge_index[0]
    col = edge_index[1]
    diff = pos[row] - pos[col]
    d = jnp.sqrt(jnp.sum(diff * diff, axis=-1) + 1e-12)
    # Gaussian smearing
    offsets = jnp.linspace(0.0, CUT, NG)
    coeff = -0.5 / (offsets[1] - offsets[0]) ** 2
    rbf = jnp.exp(coeff * (d[:, None] - offsets[None, :]) ** 2)
    # cosine cutoff
    C = 0.5 * (jnp.cos(d * np.pi / CUT) + 1.0) * (d < CUT).astype(jnp.float32)
    # atom embedding (gather)
    h = emb[atomic_numbers]
    for i in range(NI):
        # CFConv filter network on edge features
        W = ssp(rbf @ mlp_w1[i] + mlp_b1[i]) @ mlp_w2[i] + mlp_b2[i]
        W = W * C[:, None]
        xj = (h @ lin1_w[i])[col]            # gather source-node features
        msg = xj * W
        agg = jnp.zeros((N, F), jnp.float32).at[row].add(msg)  # scatter-add
        x = agg @ lin2_w[i] + lin2_b[i]
        x = ssp(x)
        x = x @ lin3_w[i] + lin3_b[i]
        h = h + x
    # domain-aware FiLM modulation (per-graph condition, broadcast to nodes)
    de = dom_emb[domain_ids]
    fc = jax.nn.relu(de @ fp1_w + fp1_b) @ fp2_w + fp2_b
    gamma = fc @ gam_w + gam_b
    beta = fc @ bet_w + bet_b
    h = gamma[batch] * h + beta[batch]
    # output head + additive readout
    o = ssp(h @ out1_w + out1_b) @ out2_w + out2_b
    energies = jax.ops.segment_sum(o, batch, num_segments=G)
    return energies


if False:  # reference __main__ guard neutralized (emitter)
    out = reference(**setup_inputs())
    print(out.shape)

if __name__ == "__main__":
    import jax
    _d = setup_inputs()
    print(jax.jit(kernel)(*tuple(_d.values())))

</pallas_src>

<mosaic_0001>
#map = affine_map<(d0, d1) -> (0)>
module attributes {stable_mosaic.version = 14 : i64} {
  func.func @_sc_dist_body(%arg0: i32, %arg1: i32, %arg2: memref<30000xf32, #tpu.memory_space<hbm>>, %arg3: memref<327680xi32, #tpu.memory_space<hbm>>, %arg4: memref<327680xi32, #tpu.memory_space<hbm>>, %arg5: memref<327680xf32, #tpu.memory_space<hbm>>, %arg6: memref<30000xf32, #tpu.memory_space<vmem>>, %arg7: memref<10240xi32, #tpu.memory_space<vmem>>, %arg8: memref<10240xi32, #tpu.memory_space<vmem>>, %arg9: memref<10240xf32, #tpu.memory_space<vmem>>) attributes {dimension_semantics = [#tpu.dimension_semantics<core_parallel>, #tpu.dimension_semantics<subcore_parallel>], iteration_bounds = array<i64: 2, 16>, scalar_prefetch = 0 : i64, scratch_operands = 4 : i64, tpu.core_type = #tpu.core_type<sc_vector_subcore>, window_params = [{transform_indices = #map}, {transform_indices = #map}, {transform_indices = #map}, {transform_indices = #map}]} {
    %mul3A = arith.constant 2 : i32
    %mul3A_0 = arith.muli %arg1, %mul3A : i32
    %add3A = arith.addi %mul3A_0, %arg0 : i32
    %mul3A_1 = arith.constant 10240 : i32
    %mul3A_2 = arith.muli %add3A, %mul3A_1 : i32
    "tpu.region"() ({
      %run_scoped3A = tpu.sem_alloc : memref<!tpu.dma_semaphore, #tpu.memory_space<semaphore_mem>>
      tpu.enqueue_dma source(%arg2 : memref<30000xf32, #tpu.memory_space<hbm>>) target(%arg6 : memref<30000xf32, #tpu.memory_space<vmem>>) target_semaphore(%run_scoped3A : memref<!tpu.dma_semaphore, #tpu.memory_space<semaphore_mem>>)
      tpu.wait_dma2 semaphore(%run_scoped3A : memref<!tpu.dma_semaphore, #tpu.memory_space<semaphore_mem>>) src(%arg2 : memref<30000xf32, #tpu.memory_space<hbm>>) dst(%arg6 : memref<30000xf32, #tpu.memory_space<vmem>>)
      tpu.yield
    }) : () -> ()
    "tpu.region"() ({
      %run_scoped3A = tpu.sem_alloc : memref<!tpu.dma_semaphore, #tpu.memory_space<semaphore_mem>>
      %dma_start3A = tpu.memref_slice %arg3[%mul3A_2] : memref<327680xi32, #tpu.memory_space<hbm>> -> memref<10240xi32, #tpu.memory_space<hbm>>
      %dma_start3A_8 = tpu.memref_slice %arg3[%mul3A_2] : memref<327680xi32, #tpu.memory_space<hbm>> -> memref<10240xi32, #tpu.memory_space<hbm>>
      tpu.enqueue_dma source(%dma_start3A_8 : memref<10240xi32, #tpu.memory_space<hbm>>) target(%arg7 : memref<10240xi32, #tpu.memory_space<vmem>>) target_semaphore(%run_scoped3A : memref<!tpu.dma_semaphore, #tpu.memory_space<semaphore_mem>>)
      %dma_wait3A = tpu.memref_slice %arg3[%mul3A_2] : memref<327680xi32, #tpu.memory_space<hbm>> -> memref<10240xi32, #tpu.memory_space<hbm>>
      %dma_wait3A_9 = tpu.memref_slice %arg3[%mul3A_2] : memref<327680xi32, #tpu.memory_space<hbm>> -> memref<10240xi32, #tpu.memory_space<hbm>>
      tpu.wait_dma2 semaphore(%run_scoped3A : memref<!tpu.dma_semaphore, #tpu.memory_space<semaphore_mem>>) src(%dma_wait3A_9 : memref<10240xi32, #tpu.memory_space<hbm>>) dst(%arg7 : memref<10240xi32, #tpu.memory_space<vmem>>)
      tpu.yield
    }) : () -> ()
    "tpu.region"() ({
      %run_scoped3A = tpu.sem_alloc : memref<!tpu.dma_semaphore, #tpu.memory_space<semaphore_mem>>
      %dma_start3A = tpu.memref_slice %arg4[%mul3A_2] : memref<327680xi32, #tpu.memory_space<hbm>> -> memref<10240xi32, #tpu.memory_space<hbm>>
      %dma_start3A_8 = tpu.memref_slice %arg4[%mul3A_2] : memref<327680xi32, #tpu.memory_space<hbm>> -> memref<10240xi32, #tpu.memory_space<hbm>>
      tpu.enqueue_dma source(%dma_start3A_8 : memref<10240xi32, #tpu.memory_space<hbm>>) target(%arg8 : memref<10240xi32, #tpu.memory_space<vmem>>) target_semaphore(%run_scoped3A : memref<!tpu.dma_semaphore, #tpu.memory_space<semaphore_mem>>)
      %dma_wait3A = tpu.memref_slice %arg4[%mul3A_2] : memref<327680xi32, #tpu.memory_space<hbm>> -> memref<10240xi32, #tpu.memory_space<hbm>>
      %dma_wait3A_9 = tpu.memref_slice %arg4[%mul3A_2] : memref<327680xi32, #tpu.memory_space<hbm>> -> memref<10240xi32, #tpu.memory_space<hbm>>
      tpu.wait_dma2 semaphore(%run_scoped3A : memref<!tpu.dma_semaphore, #tpu.memory_space<semaphore_mem>>) src(%dma_wait3A_9 : memref<10240xi32, #tpu.memory_space<hbm>>) dst(%arg8 : memref<10240xi32, #tpu.memory_space<vmem>>)
      tpu.yield
    }) : () -> ()
    %scan3A = arith.constant 0 : i32
    %scan3A_3 = arith.constant 0 : i32
    %scan3A_4 = arith.constant 640 : i32
    %scan3A_5 = arith.addi %scan3A_3, %scan3A_4 : i32
    %scan3A_6 = arith.constant 2 : i32
    scf.for %scan3A_8 = %scan3A_3 to %scan3A_5 step %scan3A_6  : i32 {
      %mul3A_9 = arith.constant 16 : i32
      %mul3A_10 = arith.muli %scan3A_8, %mul3A_9 : i32
      %get3A = arith.index_cast %mul3A_10 : i32 to index
      %get3A_11 = tpu.vector_load %arg7[%get3A] {strides = array<i32>} : memref<10240xi32, #tpu.memory_space<vmem>>, vector<16xi32>,
      %mul3A_12 = arith.constant 3 : i32
      %mul3A_13 = vector.broadcast %mul3A_12 : i32 to vector<16xi32>
      %mul3A_14 = arith.muli %get3A_11, %mul3A_13 : vector<16xi32>
      %get3A_15 = arith.index_cast %mul3A_10 : i32 to index
      %get3A_16 = tpu.vector_load %arg8[%get3A_15] {strides = array<i32>} : memref<10240xi32, #tpu.memory_space<vmem>>, vector<16xi32>,
      %mul3A_17 = arith.constant 3 : i32
      %mul3A_18 = vector.broadcast %mul3A_17 : i32 to vector<16xi32>
      %mul3A_19 = arith.muli %get3A_16, %mul3A_18 : vector<16xi32>
      %gather3A = tpu.vector_load_idx %arg6[%mul3A_14] : memref<30000xf32, #tpu.memory_space<vmem>>[vector<16xi32>], vector<16xf32>,
      %gather3A_20 = tpu.vector_load_idx %arg6[%mul3A_19] : memref<30000xf32, #tpu.memory_space<vmem>>[vector<16xi32>], vector<16xf32>,
      %sub3A = arith.subf %gather3A, %gather3A_20 : vector<16xf32>
      %add3A_21 = arith.constant 1 : i32
      %add3A_22 = vector.broadcast %add3A_21 : i32 to vector<16xi32>
      %add3A_23 = arith.addi %mul3A_14, %add3A_22 : vector<16xi32>
      %gather3A_24 = tpu.vector_load_idx %arg6[%add3A_23] : memref<30000xf32, #tpu.memory_space<vmem>>[vector<16xi32>], vector<16xf32>,
      %add3A_25 = arith.constant 1 : i32
      %add3A_26 = vector.broadcast %add3A_25 : i32 to vector<16xi32>
      %add3A_27 = arith.addi %mul3A_19, %add3A_26 : vector<16xi32>
      %gather3A_28 = tpu.vector_load_idx %arg6[%add3A_27] : memref<30000xf32, #tpu.memory_space<vmem>>[vector<16xi32>], vector<16xf32>,
      %sub3A_29 = arith.subf %gather3A_24, %gather3A_28 : vector<16xf32>
      %add3A_30 = arith.constant 2 : i32
      %add3A_31 = vector.broadcast %add3A_30 : i32 to vector<16xi32>
      %add3A_32 = arith.addi %mul3A_14, %add3A_31 : vector<16xi32>
      %gather3A_33 = tpu.vector_load_idx %arg6[%add3A_32] : memref<30000xf32, #tpu.memory_space<vmem>>[vector<16xi32>], vector<16xf32>,
      %add3A_34 = arith.constant 2 : i32
      %add3A_35 = vector.broadcast %add3A_34 : i32 to vector<16xi32>
      %add3A_36 = arith.addi %mul3A_19, %add3A_35 : vector<16xi32>
      %gather3A_37 = tpu.vector_load_idx %arg6[%add3A_36] : memref<30000xf32, #tpu.memory_space<vmem>>[vector<16xi32>], vector<16xf32>,
      %sub3A_38 = arith.subf %gather3A_33, %gather3A_37 : vector<16xf32>
      %mul3A_39 = arith.mulf %sub3A, %sub3A : vector<16xf32>
      %mul3A_40 = arith.mulf %sub3A_29, %sub3A_29 : vector<16xf32>
      %add3A_41 = arith.addf %mul3A_39, %mul3A_40 : vector<16xf32>
      %mul3A_42 = arith.mulf %sub3A_38, %sub3A_38 : vector<16xf32>
      %add3A_43 = arith.addf %add3A_41, %mul3A_42 : vector<16xf32>
      %swap3A = arith.index_cast %mul3A_10 : i32 to index
      %swap3A_44 = tpu.vector_load %arg9[%swap3A] {strides = array<i32>} : memref<10240xf32, #tpu.memory_space<vmem>>, vector<16xf32>,
      tpu.vector_store %arg9[%swap3A], %add3A_43 {strides = array<i32>} : memref<10240xf32, #tpu.memory_space<vmem>>, vector<16xf32>,
      %scan3A_45 = arith.constant 1 : i32
      %scan3A_46 = arith.addi %scan3A_8, %scan3A_45 : i32
      %mul3A_47 = arith.constant 16 : i32
      %mul3A_48 = arith.muli %scan3A_46, %mul3A_47 : i32
      %get3A_49 = arith.index_cast %mul3A_48 : i32 to index
      %get3A_50 = tpu.vector_load %arg7[%get3A_49] {strides = array<i32>} : memref<10240xi32, #tpu.memory_space<vmem>>, vector<16xi32>,
      %mul3A_51 = arith.constant 3 : i32
      %mul3A_52 = vector.broadcast %mul3A_51 : i32 to vector<16xi32>
      %mul3A_53 = arith.muli %get3A_50, %mul3A_52 : vector<16xi32>
      %get3A_54 = arith.index_cast %mul3A_48 : i32 to index
      %get3A_55 = tpu.vector_load %arg8[%get3A_54] {strides = array<i32>} : memref<10240xi32, #tpu.memory_space<vmem>>, vector<16xi32>,
      %mul3A_56 = arith.constant 3 : i32
      %mul3A_57 = vector.broadcast %mul3A_56 : i32 to vector<16xi32>
      %mul3A_58 = arith.muli %get3A_55, %mul3A_57 : vector<16xi32>
      %gather3A_59 = tpu.vector_load_idx %arg6[%mul3A_53] : memref<30000xf32, #tpu.memory_space<vmem>>[vector<16xi32>], vector<16xf32>,
      %gather3A_60 = tpu.vector_load_idx %arg6[%mul3A_58] : memref<30000xf32, #tpu.memory_space<vmem>>[vector<16xi32>], vector<16xf32>,
      %sub3A_61 = arith.subf %gather3A_59, %gather3A_60 : vector<16xf32>
      %add3A_62 = arith.constant 1 : i32
      %add3A_63 = vector.broadcast %add3A_62 : i32 to vector<16xi32>
      %add3A_64 = arith.addi %mul3A_53, %add3A_63 : vector<16xi32>
      %gather3A_65 = tpu.vector_load_idx %arg6[%add3A_64] : memref<30000xf32, #tpu.memory_space<vmem>>[vector<16xi32>], vector<16xf32>,
      %add3A_66 = arith.constant 1 : i32
      %add3A_67 = vector.broadcast %add3A_66 : i32 to vector<16xi32>
      %add3A_68 = arith.addi %mul3A_58, %add3A_67 : vector<16xi32>
      %gather3A_69 = tpu.vector_load_idx %arg6[%add3A_68] : memref<30000xf32, #tpu.memory_space<vmem>>[vector<16xi32>], vector<16xf32>,
      %sub3A_70 = arith.subf %gather3A_65, %gather3A_69 : vector<16xf32>
      %add3A_71 = arith.constant 2 : i32
      %add3A_72 = vector.broadcast %add3A_71 : i32 to vector<16xi32>
      %add3A_73 = arith.addi %mul3A_53, %add3A_72 : vector<16xi32>
      %gather3A_74 = tpu.vector_load_idx %arg6[%add3A_73] : memref<30000xf32, #tpu.memory_space<vmem>>[vector<16xi32>], vector<16xf32>,
      %add3A_75 = arith.constant 2 : i32
      %add3A_76 = vector.broadcast %add3A_75 : i32 to vector<16xi32>
      %add3A_77 = arith.addi %mul3A_58, %add3A_76 : vector<16xi32>
      %gather3A_78 = tpu.vector_load_idx %arg6[%add3A_77] : memref<30000xf32, #tpu.memory_space<vmem>>[vector<16xi32>], vector<16xf32>,
      %sub3A_79 = arith.subf %gather3A_74, %gather3A_78 : vector<16xf32>
      %mul3A_80 = arith.mulf %sub3A_61, %sub3A_61 : vector<16xf32>
      %mul3A_81 = arith.mulf %sub3A_70, %sub3A_70 : vector<16xf32>
      %add3A_82 = arith.addf %mul3A_80, %mul3A_81 : vector<16xf32>
      %mul3A_83 = arith.mulf %sub3A_79, %sub3A_79 : vector<16xf32>
      %add3A_84 = arith.addf %add3A_82, %mul3A_83 : vector<16xf32>
      %swap3A_85 = arith.index_cast %mul3A_48 : i32 to index
      %swap3A_86 = tpu.vector_load %arg9[%swap3A_85] {strides = array<i32>} : memref<10240xf32, #tpu.memory_space<vmem>>, vector<16xf32>,
      tpu.vector_store %arg9[%swap3A_85], %add3A_84 {strides = array<i32>} : memref<10240xf32, #tpu.memory_space<vmem>>, vector<16xf32>,
    }
    %scan3A_7 = arith.constant 640 : i32
    "tpu.region"() ({
      %run_scoped3A = tpu.sem_alloc : memref<!tpu.dma_semaphore, #tpu.memory_space<semaphore_mem>>
      %dma_start3A = tpu.memref_slice %arg5[%mul3A_2] : memref<327680xf32, #tpu.memory_space<hbm>> -> memref<10240xf32, #tpu.memory_space<hbm>>
      %dma_start3A_8 = tpu.memref_slice %arg5[%mul3A_2] : memref<327680xf32, #tpu.memory_space<hbm>> -> memref<10240xf32, #tpu.memory_space<hbm>>
      tpu.enqueue_dma source(%arg9 : memref<10240xf32, #tpu.memory_space<vmem>>) target(%dma_start3A_8 : memref<10240xf32, #tpu.memory_space<hbm>>) target_semaphore(%run_scoped3A : memref<!tpu.dma_semaphore, #tpu.memory_space<semaphore_mem>>)
      %dma_wait3A = tpu.memref_slice %arg5[%mul3A_2] : memref<327680xf32, #tpu.memory_space<hbm>> -> memref<10240xf32, #tpu.memory_space<hbm>>
      %dma_wait3A_9 = tpu.memref_slice %arg5[%mul3A_2] : memref<327680xf32, #tpu.memory_space<hbm>> -> memref<10240xf32, #tpu.memory_space<hbm>>
      tpu.wait_dma2 semaphore(%run_scoped3A : memref<!tpu.dma_semaphore, #tpu.memory_space<semaphore_mem>>) src(%arg9 : memref<10240xf32, #tpu.memory_space<vmem>>) dst(%dma_wait3A_9 : memref<10240xf32, #tpu.memory_space<hbm>>)
      tpu.yield
    }) : () -> ()
    return
  }
}

</mosaic_0001>

<sc_bundles>
// kernel: _sc_dist.3.cloned.1.call-start
scs
__scs_entry_jumppad:
0x0: {  	(pc) =	sbr.rel $0x88, $3  }
0x1: {  	(tag) =	ssettag $0x0;
	lr =	simm.s32 $0x1  }
0x2: {  	[smem:$0x3F9E] =	sst lr;
	_ =	strace $0xD0000000  }
0x3: {  	_ = 	snop  }
0x4: {  	_ = 	snop  }
0x5: {  	_ = 	snop  }
0x6: {  	_ = 	snop  }
0x7: {  	_ = 	snop  }
__scs_overlays_trampoline_lowered:
0x8: {  	[smem:$0x3FAD] =	sst s0  }
0x9: {  	[smem:$0x3FAE] =	sst s1  }
0xa: {  	[smem:$0x3FAF] =	sst s2  }
0xb: {  	[smem:$0x3FB0] =	sst s3  }
0xc: {  	[smem:$0x3FB1] =	sst s4  }
0xd: {  	[smem:$0x3FB2] =	sst s5  }
0xe: {  	[smem:$0x3FB3] =	sst s6  }
0xf: {  	[smem:$0x3FB4] =	sst s7  }
0x10: {  	[smem:$0x3FB5] =	sst s8  }
0x11: {  	[smem:$0x3FB6] =	sst s9;
	s0 =	simm.s32 @!p0 $0x0  }
0x12: {  	s1 =	sld [smem:$0x3F9C];
	s0 =	simm.s32 @p0 $0x1  }
0x13: {  	[smem:$0x3FB7] =	sst s0;
	s0 =	simm.s32 @!p1 $0x0  }
0x14: {  	s2 =	sld [smem:$0x3F9B];
	s0 =	simm.s32 @p1 $0x1  }
0x15: {  	[smem:$0x3FB8] =	sst s0;
	s0 =	simm.s32 @!p2 $0x0  }
0x16: {  	s3 =	sld [smem:$0x3FDB];
	s0 =	simm.s32 @p2 $0x1  }
0x17: {  	s4 =	simm.s32 $0x1BF5;
	[smem:$0x3FBA] =	sst s0  }
0x18: {  	s0 =	sld [smem:$0x3F9D];
	_ =	swait.ge [sflag:s4], $0x0  }
0x19: {  	s7 =	sld [smem:$0x3F9E]  }
0x1a: {  	s8 =	sadd.s32 $0xFFFFE003, lr  }
0x1b: {  	s9 =	sadd.s32 $0xFFFFFEF7, lr;
	s5 =	simm.s32 $0xFFFFFFFF;
	p2 =	slt.u32 s8, $0xFFFFF086  }
0x1c: {  	p1 =	slt.u32 s9, $0xF7A;
	s5 =	simm.s32 @!p2 $0x0  }
0x1d: {  	s5 =	simm.s32 @p1 $0x1;
	p0 =	seq.s32 s7, s2  }
0x1e: {  	s7 =	smul.u32 @!p0 $0xF7A, s2;
	p2 =	seq.s32 @!p0 s5, $0x0  }
0x1f: {  	s9 =	smul.u32 $0xF7A, s1;
	s8 =	simm.s32 @!p0 $0x1BF5;
	p2 =	por !p2, p0  }
0x20: {  	[sflag:s8] =	ssyncset.s32 @!p0 $0xFFFFF086;
	s6 =	sadd.s32 @!p0 s3, s7;
	s7 =	simm.s32 @!p0 $0x108  }
0x21: {  	s3 =	sadd.s32 s3, s9;
	s6 =	sadd.s32 @!p0 $0x88, s6;
	s7 =	simm.s32 @p2 $0x1082  }
0x22: {  	[simem:s7], [sflag:s8] =	dma.local @!p0 [hbm:s6], $0xF7A  }
0x23: {  	s9 =	sor.u32 $0xD0000000, s2;
	s6 =	simm.s32 $0x108;
	_ =	swait.ge @!p0 [sflag:s8], $0x0  }
0x24: {  	s3 =	sadd.s32 $0x88, s3;
	s6 =	simm.s32 @!p1 $0x1082;
	[sflag:s4] =	ssyncset.s32 $0xFFFFF086  }
0x25: {  	[simem:s6], [sflag:s4] =	dma.local [hbm:s3], $0xF7A  }
0x26: {  	[smem:$0x3F9E] =	sst s1;
	(tag) =	ssettag s2;
	_ =	strace s9  }
0x27: {  	s1 =	sld [smem:$0x3FAE]  }
0x28: {  	s2 =	sld [smem:$0x3FAF]  }
0x29: {  	s4 =	sld [smem:$0x3FB1]  }
0x2a: {  	p0 =	seq.s32 s5, $0x0;
	s5 =	sld [smem:$0x3FB2]  }
0x2b: {  	s6 =	sld [smem:$0x3FB3]  }
0x2c: {  	s7 =	sld [smem:$0x3FB4]  }
0x2d: {  	s3 =	simm.s32 $0x108;
	s8 =	sld [smem:$0x3FB5]  }
0x2e: {  	s3 =	simm.s32 @!p0 $0x1082;
	s9 =	sld [smem:$0x3FB6]  }
0x2f: {  	lr =	sadd.s32 s0, s3;
	s0 =	sld [smem:$0x3FAD]  }
0x30: {  	s3 =	sld [smem:$0x3FB0]  }
0x31: {  	[smem:$0x3FB9] =	sst s10  }
0x32: {  	s10 =	sld [smem:$0x3FB7];
	_ =	sdelay $0x3  }
0x33: {  	p0 =	seq.s32 s10, $0x1;
	s10 =	sld [smem:$0x3FB9];
	_ =	sdelay $0x3  }
0x34: {  	[smem:$0x3FB9] =	sst s10  }
0x35: {  	s10 =	sld [smem:$0x3FB8];
	_ =	sdelay $0x3  }
0x36: {  	p1 =	seq.s32 s10, $0x1;
	s10 =	sld [smem:$0x3FB9];
	_ =	sdelay $0x3  }
0x37: {  	[smem:$0x3FB9] =	sst s10  }
0x38: {  	s10 =	sld [smem:$0x3FBA]  }
0x39: {  	_ = 	snop;
	(pc) =	sbr.ind lr, $3  }
0x3a: {  	_ = 	snop  }
0x3b: {  	_ = 	snop  }
0x3c: {  	p2 =	seq.s32 s10, $0x1;
	s10 =	sld [smem:$0x3FB9]  }
0x3d: {  	_ =	shalt  }
0x3e: {  	_ =	shalt  }
0x3f: {  	_ =	shalt  }
0x40: {  	_ =	shalt  }
0x41: {  	_ =	shalt  }
0x42: {  	_ =	shalt  }
0x43: {  	_ =	shalt  }
0x44: {  	_ =	shalt  }
0x45: {  	_ =	shalt  }
0x46: {  	_ =	shalt  }
0x47: {  	_ =	shalt  }
0x48: {  	_ =	shalt  }
0x49: {  	_ =	shalt  }
0x4a: {  	_ =	shalt  }
0x4b: {  	_ =	shalt  }
0x4c: {  	_ =	shalt  }
0x4d: {  	_ =	shalt  }
0x4e: {  	_ =	shalt  }
0x4f: {  	_ =	shalt  }
0x50: {  	_ =	shalt  }
0x51: {  	_ =	shalt  }
0x52: {  	_ =	shalt  }
0x53: {  	_ =	shalt  }
0x54: {  	_ =	shalt  }
0x55: {  	_ =	shalt  }
0x56: {  	_ =	shalt  }
0x57: {  	_ =	shalt  }
0x58: {  	_ =	shalt  }
0x59: {  	_ =	shalt  }
0x5a: {  	_ =	shalt  }
0x5b: {  	_ =	shalt  }
0x5c: {  	_ =	shalt  }
0x5d: {  	_ =	shalt  }
0x5e: {  	_ =	shalt  }
0x5f: {  	_ =	shalt  }
0x60: {  	_ =	shalt  }
0x61: {  	_ =	shalt  }
0x62: {  	_ =	shalt  }
0x63: {  	_ =	shalt  }
0x64: {  	_ =	shalt  }
0x65: {  	_ =	shalt  }
0x66: {  	_ =	shalt  }
0x67: {  	_ =	shalt  }
0x68: {  	_ =	shalt  }
0x69: {  	_ =	shalt  }
0x6a: {  	_ =	shalt  }
0x6b: {  	_ =	shalt  }
0x6c: {  	_ =	shalt  }
0x6d: {  	_ =	shalt  }
0x6e: {  	_ =	shalt  }
0x6f: {  	_ =	shalt  }
0x70: {  	_ =	shalt  }
0x71: {  	_ =	shalt  }
0x72: {  	_ =	shalt  }
0x73: {  	_ =	shalt  }
0x74: {  	_ =	shalt  }
0x75: {  	_ =	shalt  }
0x76: {  	_ =	shalt  }
0x77: {  	_ =	shalt  }
0x78: {  	_ =	shalt  }
0x79: {  	_ =	shalt  }
0x7a: {  	_ =	shalt  }
0x7b: {  	_ =	shalt  }
0x7c: {  	_ =	shalt  }
0x7d: {  	_ =	shalt  }
0x7e: {  	_ =	shalt  }
0x7f: {  	_ =	shalt  }
0x80: {  	_ =	shalt  }
0x81: {  	_ =	shalt  }
0x82: {  	_ =	shalt  }
0x83: {  	_ =	shalt  }
0x84: {  	_ =	shalt  }
0x85: {  	_ =	shalt  }
0x86: {  	_ =	shalt  }
0x87: {  	_ =	shalt  }
.Lfunc_end0:
.L_simem_size_0:
called_computation_lowered:
.L_overlay_start_0:
0x88: {  	s2 =	sld [smem:$0x3FD9]  }
0x89: {  	s3 =	sld [smem:$0x3FFE];
	_ =	sdelay $0x1  }
0x8a: {  	s1 =	srdreg.scid  }
0x8b: {  	s0 =	sand.u32 $0x1, s1  }
0x8c: {  	s18 =	sshll.u32 s0, $0xA;
	s2 =	sadd.s32 s3, s2  }
0x8d: {  	s2 =	sadd.s32 s2, s18  }
0x8e: {  	[smem:$0x3FC5] =	sst s2  }
0x8f: {  	_ = 	snop  }
0x90: {  	s2 =	sld [smem:$0x3FC9]  }
0x91: {  	s19 =	sld [smem:$0x3FC8]  }
0x92: {  	s4 =	sld [smem:$0x3FC7]  }
0x93: {  	s5 =	sld [smem:$0x3FD0];
	(tm) =	ssettm $0x1  }
0x94: {  	s6 =	sld [smem:$0x3FFB];
	_ =	sdelay $0x3  }
0x95: {  	_ =	strace s6  }
0x96: {  	s6 =	sld [smem:$0x3FFC];
	_ =	sdelay $0x3  }
0x97: {  	_ =	strace s6  }
0x98: {  	s6 =	sld [smem:$0x3FFD];
	_ =	sdelay $0x3  }
0x99: {  	_ =	strace s6  }
0x9a: {  	_ =	strace $0x8FFFFFFF  }
0x9b: {  	s20 =	sld [smem:$0x3FDB];
	_ =	sdelay $0x1  }
0x9c: {  	s7 =	simm.s32 $_scs_section_size  }
0x9d: {  	s8 =	simm.s32 $_size__tile_overlayer_lowered;
	s9 =	simm.s32 $_tile_overlayer_lowered  }
0x9e: {  	s23 =	simm.s32 $0x1BFF;
	s22 =	sshll.u32 s9, $0x1;
	s6 =	sadd.s32 s7, s20  }
0x9f: {  	s10 =	simm.s32 $0x0;
	s21 =	sshll.u32 s8, $0x1;
	s8 =	sadd.s32 s22, s6  }
0xa0: {  	[timem:s10], [sflag:s23] =	dma.local [hbm:s8], s21  }
0xa1: {  	_ =	swait.ge [sflag:s23], s21  }
0xa2: {  	s7 =	ssub.s32 $0x0, s21;
	[sflag:s23] =	ssyncset.done $0x0  }
0xa3: {  	[sflag:s23] =	ssyncadd.s32 s7;
	_ =	sdelay $0x1  }
0xa4: {  	s24 =	simm.s32 $0x1B8B  }
0xa5: {  	_ =	swait.ge [sflag:s24], $0x1  }
0xa6: {  	[sflag:s24] =	ssyncset.done $0x0  }
0xa7: {  	s25 =	simm.s32 $0x1B8E;
	[sflag:s24] =	ssyncadd.s32 $0xFFFFFFFF  }
0xa8: {  	s26 =	simm.s32 $execute0_lowered;
	[smem:$0x3FD2] =	sst s25  }
0xa9: {  	s7 =	sshll.u32 s26, $0x1;
	_ =	strace $0x80000046;
	[dreg:$0x1] =	wrdreg $0xFFFFFFFF  }
0xaa: {  	s28 =	simm.s32 $_size_execute0_lowered;
	s6 =	sadd.s32 s6, s7;
	[dreg:$0x0] =	wrdreg $0x0  }
0xab: {  	s7 =	sshll.u32 s28, $0x1;
	[dreg:$0x2] =	wrdreg s6  }
0xac: {  	[dreg:$0x3] =	wrdreg s7  }
0xad: {  	[dreg:$0x4] =	wrdreg $0xC0  }
0xae: {  	_ =	task [dreg:s10], $0x5FFFF  }
0xaf: {  	[dreg:$0x1] =	wrdreg $0xFFFFFFFF  }
0xb0: {  	[dreg:$0x0] =	wrdreg $0x60  }
0xb1: {  	[dreg:$0x2] =	wrdreg s2  }
0xb2: {  	[dreg:$0x3] =	wrdreg s19  }
0xb3: {  	[dreg:$0x4] =	wrdreg s4  }
0xb4: {  	[dreg:$0x5] =	wrdreg s5  }
0xb5: {  	[dreg:$0x6] =	wrdreg $0x9  }
0xb6: {  	_ =	task.clear_ibuf [dreg:s10], $0x7FFFF;
	_ =	strace $0x90000046  }
0xb7: {  	s29 =	simm.s32 $0x9;
	_ =	strace $0x80000048  }
0xb8: {  	_ =	swait.ge [sflag:s29], $0x1  }
0xb9: {  	[sflag:s29] =	ssyncadd.s32 $0xFFFFFFFF  }
0xba: {  	_ =	strace $0x90000048  }
0xbb: {  	_ =	sfence  }
0xbc: {  	s30 =	sld [smem:$0x0];
	_ =	sdelay $0x2  }
0xbd: {  	s31 =	sshll.u32 s1, $0xD;
	s1 =	sshrl.u32 s1, $0x2  }
0xbe: {  	s3 =	sand.u32 $0x4000, s31;
	s1 =	sadd.s32 s1, s30  }
0xbf: {  	s0 =	sor.u32 s3, s0;
	s1 =	sshll.u32 s1, $0x11  }
0xc0: {  	s0 =	sor.u32 s1, s0  }
0xc1: {  	s0 =	sadd.s32 $0x8F2B, s0  }
0xc2: {  	[sflag:s0] =	ssyncadd.remote.s32 $0x1  }
0xc3: {  	_ =	sfence.sel $0xFFFF  }
0xc4: {  	[dreg:$0x0] =	wrdreg $0xFFFFFFFF;
	(pc) =	sbr.abs _section_cstart, $3  }
0xc5: {  	[dreg:$0x1] =	wrdreg $0xFFFFFFFF  }
0xc6: {  	_ =	task.clear_ibuf [dreg:s10], $0x2FFFF;
	_ =	strace $0x9FFFFFFF  }
0xc7: {  	(tm) =	ssettm $0x7FFFFFFF  }
tec
execute0_lowered:
.L_overlay_start_1:
0x0: {  	(tag) =	ssettag $0x1  }
0x1: {  	s1 =	rddreg [dreg:$0x0]  }
0x2: {  	s4 =	rddreg [dreg:$0x1]  }
0x3: {  	s5 =	rddreg [dreg:$0x2]  }
0x4: {  	s6 =	rddreg [dreg:$0x3];
	s3 =	srdreg.scid  }
0x5: {  	s2 =	stileid.u32;
	s0 =	rddreg [dreg:$0x4];
	s10 =	simm.s32 $0x9D80  }
0x6: {  	s11 =	simm.s32 $0xC580;
	s7 =	sand.u32 $0x1, s3;
	s8 =	sshll.u32 s2, $0x1  }
0x7: {  	s3 =	simm.s32 $0x0;
	s9 =	ssub.s32 $0x2, s7;
	s7 =	sor.u32 s7, s8  }
0x8: {  	[smem:$0x7FF] =	sst s3;
	s31 =	sshrl.u32 s9, $0x1;
	s7 =	smul.u32 $0x500, s7  }
0x9: {  	s12 =	simm.s32 $0x0;
	_ =	strace $0x80000047;
	s8 =	ssub.s32 s9, s31  }
0xa: {  	s9 =	simm.s32 $0x7580;
	s4 =	sadd.s32 s4, s7;
	s5 =	sadd.s32 s5, s7  }
0xb: {  	s6 =	sadd.s32 s6, s7;
	s7 =	smax.u32 s8, $0x1;
	s8 =	simm.s32 $0x1  }
.LBB2_1:
0xc: {  	[tilespmem:s3], [sflag:$0x1] =	stream.linear.gather [hbm4b:s1+s3], $0x7580, $0x38;
	[tilespmem:$0xED80] =	vst v63  }
0xd: {  	_ =	swait.ge [sflag:s8], $0x7580  }
0xe: {  	[sflag:s8] =	ssyncset.done $0x0  }
0xf: {  	[sflag:s8] =	ssyncadd.s32 $0xFFFF8A80  }
0x10: {  	[tilespmem:s9], [sflag:$0x1] =	stream.linear.gather [hbm4b:s4+s3], $0x2800, $0x38;
	[tilespmem:$0xED80] =	vst v63  }
0x11: {  	_ =	swait.ge [sflag:s8], $0x2800  }
0x12: {  	[sflag:s8] =	ssyncset.done $0x0  }
0x13: {  	[sflag:s8] =	ssyncadd.s32 $0xFFFFD800  }
0x14: {  	[tilespmem:s10], [sflag:$0x1] =	stream.linear.gather [hbm4b:s5+s3], $0x2800, $0x38;
	[tilespmem:$0xED80] =	vst v63  }
0x15: {  	_ =	swait.ge [sflag:s8], $0x2800  }
0x16: {  	s13 =	simm.s32 $0xFFFFFFFE;
	s14 =	simm.s32 $0xC590;
	[sflag:s8] =	ssyncset.done $0x0  }
0x17: {  	s15 =	simm.s32 $0x9D90;
	s16 =	simm.s32 $0x7590;
	[sflag:s8] =	ssyncadd.s32 $0xFFFFD800  }
.LBB2_2:
0x18: {  	v0 =	vld [tilespmem:s16+$0xFFFFFFF0]  }
0x19: {  	v1 =	vld [tilespmem:s15+$0xFFFFFFF0];
	_ =	sdelay $0x3  }
0x1a: {  	v0 =	vmul.u32 $0x3, v0  }
0x1b: {  	v1 =	vmul.u32 $0x3, v1;
	_ =	sdelay $0x1  }
0x1c: {  	v2 =	vadd.s32 $0x1, v0  }
0x1d: {  	v3 =	vadd.s32 $0x1, v1  }
0x1e: {  	v4 =	vadd.s32 $0x2, v0  }
0x1f: {  	v5 =	vadd.s32 $0x2, v1;
	v0 =	vld.idx.msk [tilespmem:v0+s3+$0x0], $0xffff  }
0x20: {  	v1 =	vld.idx.msk [tilespmem:v1+s3+$0x0], $0xffff  }
0x21: {  	v2 =	vld.idx.msk [tilespmem:v2+s3+$0x0], $0xffff  }
0x22: {  	v3 =	vld.idx.msk [tilespmem:v3+s3+$0x0], $0xffff  }
0x23: {  	v4 =	vld.idx.msk [tilespmem:v4+s3+$0x0], $0xffff  }
0x24: {  	v5 =	vld.idx.msk [tilespmem:v5+s3+$0x0], $0xffff;
	_ =	sdelay $0x2  }
0x25: {  	v0 =	vsub.f32 v0, v1;
	v53 =	vsub.f32 v2, v3;
	_ =	sdelay $0x1  }
0x26: {  	v54 =	vsub.f32 v4, v5;
	v0 =	vmul.f32 v0, v0;
	v1 =	vmul.f32 v53, v53;
	_ =	sdelay $0x1  }
0x27: {  	v55 =	vmul.f32 v54, v54;
	v0 =	vadd.f32 v1, v0;
	_ =	sdelay $0x1  }
0x28: {  	v0 =	vadd.f32 v55, v0;
	_ =	sdelay $0x1  }
0x29: {  	[tilespmem:s14+$0xFFFFFFF0] =	vst v0  }
0x2a: {  	v0 =	vld [tilespmem:s16+$0x0]  }
0x2b: {  	v56 =	vld [tilespmem:s15+$0x0];
	_ =	sdelay $0x3  }
0x2c: {  	v0 =	vmul.u32 $0x3, v0  }
0x2d: {  	v1 =	vmul.u32 $0x3, v56;
	_ =	sdelay $0x1  }
0x2e: {  	v57 =	vadd.s32 $0x1, v0  }
0x2f: {  	v58 =	vadd.s32 $0x1, v1  }
0x30: {  	v59 =	vadd.s32 $0x2, v0  }
0x31: {  	v60 =	vadd.s32 $0x2, v1;
	v0 =	vld.idx.msk [tilespmem:v0+s3+$0x0], $0xffff  }
0x32: {  	v1 =	vld.idx.msk [tilespmem:v1+s3+$0x0], $0xffff  }
0x33: {  	v2 =	vld.idx.msk [tilespmem:v57+s3+$0x0], $0xffff  }
0x34: {  	v3 =	vld.idx.msk [tilespmem:v58+s3+$0x0], $0xffff  }
0x35: {  	v4 =	vld.idx.msk [tilespmem:v59+s3+$0x0], $0xffff  }
0x36: {  	v5 =	vld.idx.msk [tilespmem:v60+s3+$0x0], $0xffff;
	_ =	sdelay $0x2  }
0x37: {  	v0 =	vsub.f32 v0, v1;
	v61 =	vsub.f32 v2, v3;
	_ =	sdelay $0x1  }
0x38: {  	s13 =	sadd.s32 $0x2, s13;
	v62 =	vsub.f32 v4, v5;
	v0 =	vmul.f32 v0, v0;
	v1 =	vmul.f32 v61, v61  }
0x39: {  	p0 =	slt.u32 s13, $0x27E  }
.Ltmp0:
0x3a: {  	v63 =	vmul.f32 v62, v62;
	v0 =	vadd.f32 v1, v0;
	(pc) =	sbr.rel @p0 .LBB2_2-.Ltmp0, $3  }
0x3b: {  	_ = 	snop  }
0x3c: {  	v0 =	vadd.f32 v63, v0;
	_ =	sdelay $0x1  }
0x3d: {  	s15 =	sadd.s32 $0x20, s15;
	s16 =	sadd.s32 $0x20, s16;
	[tilespmem:s14+$0x0] =	vst v0;
	s14 =	sadd.s32 $0x20, s14  }
0x3e: {  	s12 =	sadd.s32 $0x1, s12  }
0x3f: {  	p0 =	sne.s32 s12, s7  }
.Ltmp1:
0x40: {  	_ = 	snop;
	(pc) =	sbr.rel @p0 .LBB2_1-.Ltmp1, $4  }
0x41: {  	[hbm4b:s6+s3] =	stream.linear.scatter [tilespmem:s11], [sflag:$0x1], $0x2800, $0x38;
	[tilespmem:$0xED80] =	vst v63  }
0x42: {  	_ =	swait.ge [sflag:s8], $0x2800  }
0x43: {  	[sflag:s8] =	ssyncset.done $0x0  }
0x44: {  	[sflag:s8] =	ssyncadd.s32 $0xFFFFD800  }
0x45: {  	_ =	sfence.sel $0x180000  }
0x46: {  	[bflag:$0x0] =	sbarrier.arrive $0xFFFF  }
0x47: {  	p0 =	sne.s32 s2, $0x0;
	_ =	strace $0x90000047  }
0x48: {  	s0 =	sadd.s32 @!p0 $0x100000, s0;
	[bflag:$0x2] =	sbarrier.arrive $0xFFFF  }
0x49: {  	[sflag:s0] =	ssyncadd.tile.s32 @!p0 $0x1;
	_ =	shalt  }
.Lfunc_end2:
_tile_overlayer_lowered:
.L_overlay_start_2:
0x4a: {  	(tag) =	ssettag $0x2  }
0x4b: {  	s0 =	rddreg [dreg:$0x0];
	s2 =	stileid.u32  }
0x4c: {  	s1 =	rddreg [dreg:$0x1];
	p0 =	sne.s32 s2, $0x0  }
0x4d: {  	s3 =	rddreg [dreg:$0x2];
	[bflag:$0x3] =	sbarrier.arrive $0xFFFF;
	s2 =	simm.s32 @!p0 $0x1C01  }
0x4e: {  	[timem:s3], [sflag:s2] =	dma.local @!p0 [hbm:s0], s1  }
0x4f: {  	s0 =	simm.s32 @!p0 $0x1  }
0x50: {  	_ =	swait.ge @!p0 [sflag:s0], s1  }
0x51: {  	s1 =	ssub.s32 @!p0 $0x0, s1;
	[sflag:s0] =	ssyncset.done @!p0 $0x0  }
0x52: {  	[sflag:s0] =	ssyncadd.s32 @!p0 s1  }
0x53: {  	[bflag:$0x3] =	sbarrier.arrive $0xFFFF  }
0x54: {  	_ =	shalt  }

</sc_bundles>
